<compile_context>
chip_gen: v7x
topology: tpu7x:2x2x1
jax: 0.10.2.dev20260603
libtpu: 0.0.44.dev20260713+nightly
codegen_flags: <defaults>
</compile_context>

<pallas_src>
import functools

import jax
import jax.numpy as jnp
from jax import lax
from jax.experimental import pallas as pl
from jax.experimental.pallas import tpu as pltpu
from jax.experimental.pallas import tpu_sc as plsc

_BATCH = 16384
_D = 1024
_REP = 32
_STREAM_ROWS = 320


def _make_sc_broadcast(batch, d, rep, stream_rows):
    info = plsc.get_sparse_core_info()
    nc, ns = info.num_cores, info.num_subcores
    nw = nc * ns
    rows_per_w = batch // nw
    dma_rows = rows_per_w - stream_rows
    mesh = plsc.VectorSubcoreMesh(core_axis_name="c", subcore_axis_name="s")

    @functools.partial(
        pl.kernel,
        mesh=mesh,
        out_type=jax.ShapeDtypeStruct((batch, d), jnp.float32),
        scratch_types=[
            pltpu.VMEM((16,), jnp.int32),
            pltpu.VMEM((rep,), jnp.int32),
            pltpu.VMEM((rep, d), jnp.float32),
            pltpu.VMEM_SHARED((rows_per_w, d), jnp.float32),
            pltpu.SemaphoreType.DMA,
            pltpu.SemaphoreType.DMA,
            pltpu.SemaphoreType.DMA,
        ],
    )
    def sc_broadcast(sid_hbm, table_hbm, out_hbm, sid_v, idx_v, block_v,
                     shared_v, gsem, ssem, tsem):
        s = lax.axis_index("s")
        wid = lax.axis_index("c") * ns + s
        base = wid * rows_per_w
        pltpu.sync_copy(sid_hbm, sid_v.at[pl.ds(0, 1)])
        vidx = jnp.full((16,), sid_v[...][0], dtype=jnp.int32)
        for j in range(rep // 16):
            idx_v[pl.ds(j * 16, 16)] = vidx
        pltpu.async_copy(table_hbm.at[idx_v], block_v, gsem).wait()
        pltpu.sync_copy(block_v, shared_v.at[pl.ds(s * rep, rep)])
        plsc.subcore_barrier()
        tail = pltpu.async_copy(
            shared_v.at[pl.ds(0, dma_rows)],
            out_hbm.at[pl.ds(base + stream_rows, dma_rows)], ssem)
        stream_copies = []
        for j in range(stream_rows // rep):
            stream_copies.append(
                pltpu.async_copy(
                    block_v, out_hbm.at[pl.ds(base + j * rep, rep)], tsem
                )
            )
        for c in stream_copies:
            c.wait()
        tail.wait()

    return sc_broadcast


_sc_broadcast = _make_sc_broadcast(_BATCH, _D, _REP, _STREAM_ROWS)


def kernel(x, lang_type_ids, table):
    del x
    sid = jnp.reshape(jnp.asarray(lang_type_ids, dtype=jnp.int32), (1,))
    return _sc_broadcast(sid, table)

# --- scband reference (transcript-rebuilt; emitter-appended) ---
"""Pipeline reference for scband-language-embedding-61400852463775 (READ-ONLY COPY).

The authoritative reference and input builder live on the scoring server;
editing this copy changes nothing except your own understanding.
"""

import jax, jax.numpy as jnp
import numpy as np

NUM_LANGUAGES = 128
EMBEDDING_SIZE = 1024
BATCH = 16384

def setup_inputs(seed: int = 0) -> dict:
    key = jax.random.key(seed)
    k1, k2 = jax.random.split(key)
    x = jax.random.normal(k1, (BATCH, EMBEDDING_SIZE), dtype=jnp.float32)
    lang_type_ids = 5  # python int scalar, as in the torch forward signature
    table = jax.random.normal(k2, (NUM_LANGUAGES, EMBEDDING_SIZE), dtype=jnp.float32) * 0.02
    return {"x": x, "lang_type_ids": lang_type_ids, "table": table}

def reference(x, lang_type_ids, table):
    # torch: lang_type_tensor = torch.full((x.size(0),), lang_type_ids, dtype=torch.long)
    #        return self.lang_type_embedding(lang_type_tensor)
    ids = jnp.full((x.shape[0],), lang_type_ids, dtype=jnp.int32)
    return jnp.take(table, ids, axis=0)

if __name__ == "__main__":
    import jax
    _d = setup_inputs()
    print(jax.jit(kernel)(*tuple(_d.values())))

</pallas_src>

<mosaic_0001>
#map = affine_map<(d0, d1) -> (0)>
#map1 = affine_map<(d0, d1) -> (0, 0)>
module attributes {stable_mosaic.version = 14 : i64} {
  func.func @sc_broadcast(%arg0: i32, %arg1: i32, %arg2: memref<1xi32, #tpu.memory_space<hbm>>, %arg3: memref<128x1024xf32, #tpu.memory_space<hbm>>, %arg4: memref<16384x1024xf32, #tpu.memory_space<hbm>>, %arg5: memref<16xi32, #tpu.memory_space<vmem>>, %arg6: memref<32xi32, #tpu.memory_space<vmem>>, %arg7: memref<32x1024xf32, #tpu.memory_space<vmem>>, %arg8: memref<512x1024xf32, #tpu.memory_space<vmem_shared>>, %arg9: memref<!tpu.dma_semaphore, #tpu.memory_space<semaphore_mem>>, %arg10: memref<!tpu.dma_semaphore, #tpu.memory_space<semaphore_mem>>, %arg11: memref<!tpu.dma_semaphore, #tpu.memory_space<semaphore_mem>>) attributes {dimension_semantics = [#tpu.dimension_semantics<core_parallel>, #tpu.dimension_semantics<subcore_parallel>], iteration_bounds = array<i64: 2, 16>, scalar_prefetch = 0 : i64, scratch_operands = 7 : i64, tpu.core_type = #tpu.core_type<sc_vector_subcore>, window_params = [{transform_indices = #map}, {transform_indices = #map1}, {transform_indices = #map1}]} {
    %mul3A = arith.constant 16 : i32
    %mul3A_0 = arith.muli %arg0, %mul3A : i32
    %add3A = arith.addi %mul3A_0, %arg1 : i32
    %mul3A_1 = arith.constant 512 : i32
    %mul3A_2 = arith.muli %add3A, %mul3A_1 : i32
    "tpu.region"() ({
      %run_scoped3A = tpu.sem_alloc : memref<!tpu.dma_semaphore, #tpu.memory_space<semaphore_mem>>
      %dma_start3A_130 = arith.constant 0 : i32
      %dma_start3A_131 = tpu.memref_slice %arg5[%dma_start3A_130] : memref<16xi32, #tpu.memory_space<vmem>> -> memref<1xi32, #tpu.memory_space<vmem>>
      %dma_start3A_132 = arith.constant 0 : i32
      %dma_start3A_133 = tpu.memref_slice %arg5[%dma_start3A_132] : memref<16xi32, #tpu.memory_space<vmem>> -> memref<1xi32, #tpu.memory_space<vmem>>
      tpu.enqueue_dma source(%arg2 : memref<1xi32, #tpu.memory_space<hbm>>) target(%dma_start3A_133 : memref<1xi32, #tpu.memory_space<vmem>>) target_semaphore(%run_scoped3A : memref<!tpu.dma_semaphore, #tpu.memory_space<semaphore_mem>>)
      %dma_wait3A_134 = arith.constant 0 : i32
      %dma_wait3A_135 = tpu.memref_slice %arg5[%dma_wait3A_134] : memref<16xi32, #tpu.memory_space<vmem>> -> memref<1xi32, #tpu.memory_space<vmem>>
      %dma_wait3A_136 = arith.constant 0 : i32
      %dma_wait3A_137 = tpu.memref_slice %arg5[%dma_wait3A_136] : memref<16xi32, #tpu.memory_space<vmem>> -> memref<1xi32, #tpu.memory_space<vmem>>
      tpu.wait_dma2 semaphore(%run_scoped3A : memref<!tpu.dma_semaphore, #tpu.memory_space<semaphore_mem>>) src(%arg2 : memref<1xi32, #tpu.memory_space<hbm>>) dst(%dma_wait3A_137 : memref<1xi32, #tpu.memory_space<vmem>>)
      tpu.yield
    }) : () -> ()
    %get3A = arith.constant 0 : index
    %get3A_3 = tpu.vector_load %arg5[%get3A] {strides = array<i32>} : memref<16xi32, #tpu.memory_space<vmem>>, vector<16xi32>,
    %get3A_4 = vector.shape_cast %get3A_3 : vector<16xi32> to vector<16xi32>
    %slice3A = vector.extract_strided_slice %get3A_4 {offsets = [0], sizes = [1], strides = [1]} : vector<16xi32> to vector<1xi32>
    %squeeze3A = vector.extract %slice3A[0] : i32 from vector<1xi32>
    %broadcast_in_dim3A = vector.broadcast %squeeze3A : i32 to vector<16xi32>
    %swap3A = arith.constant 0 : index
    %swap3A_5 = tpu.vector_load %arg6[%swap3A] {strides = array<i32>} : memref<32xi32, #tpu.memory_space<vmem>>, vector<16xi32>,
    %swap3A_6 = vector.shape_cast %swap3A_5 : vector<16xi32> to vector<16xi32>
    %swap3A_7 = vector.shape_cast %broadcast_in_dim3A : vector<16xi32> to vector<16xi32>
    tpu.vector_store %arg6[%swap3A], %swap3A_7 {strides = array<i32>} : memref<32xi32, #tpu.memory_space<vmem>>, vector<16xi32>,
    %swap3A_8 = arith.constant 16 : index
    %swap3A_9 = tpu.vector_load %arg6[%swap3A_8] {strides = array<i32>} : memref<32xi32, #tpu.memory_space<vmem>>, vector<16xi32>,
    %swap3A_10 = vector.shape_cast %swap3A_9 : vector<16xi32> to vector<16xi32>
    %swap3A_11 = vector.shape_cast %broadcast_in_dim3A : vector<16xi32> to vector<16xi32>
    tpu.vector_store %arg6[%swap3A_8], %swap3A_11 {strides = array<i32>} : memref<32xi32, #tpu.memory_space<vmem>>, vector<16xi32>,
    %dma_start3A = arith.constant 0 : i32
    %dma_start3A_12 = arith.constant 0 : i32
    %dma_start3A_13 = tpu.memref_slice %arg3[%dma_start3A, %dma_start3A_12] : memref<128x1024xf32, #tpu.memory_space<hbm>> -> memref<128x1024xf32, #tpu.memory_space<hbm>>
    tpu.enqueue_indirect_dma source(%dma_start3A_13 : memref<128x1024xf32, #tpu.memory_space<hbm>>) target(%arg7 : memref<32x1024xf32, #tpu.memory_space<vmem>>) offsets(%arg6 : memref<32xi32, #tpu.memory_space<vmem>>) semaphore(%arg9 : memref<!tpu.dma_semaphore, #tpu.memory_space<semaphore_mem>>)
    %dma_wait3A = arith.constant 0 : i32
    %dma_wait3A_14 = arith.constant 0 : i32
    %dma_wait3A_15 = tpu.memref_slice %arg3[%dma_wait3A, %dma_wait3A_14] : memref<128x1024xf32, #tpu.memory_space<hbm>> -> memref<128x1024xf32, #tpu.memory_space<hbm>>
    tpu.wait_indirect_dma semaphore(%arg9 : memref<!tpu.dma_semaphore, #tpu.memory_space<semaphore_mem>>) src(%dma_wait3A_15 : memref<128x1024xf32, #tpu.memory_space<hbm>>) dst(%arg7 : memref<32x1024xf32, #tpu.memory_space<vmem>>)
    %mul3A_16 = arith.constant 32 : i32
    %mul3A_17 = arith.muli %arg1, %mul3A_16 : i32
    "tpu.region"() ({
      %run_scoped3A = tpu.sem_alloc : memref<!tpu.dma_semaphore, #tpu.memory_space<semaphore_mem>>
      %dma_start3A_130 = arith.constant 0 : i32
      %dma_start3A_131 = tpu.memref_slice %arg8[%mul3A_17, %dma_start3A_130] : memref<512x1024xf32, #tpu.memory_space<vmem_shared>> -> memref<32x1024xf32, #tpu.memory_space<vmem_shared>>
      %dma_start3A_132 = arith.constant 0 : i32
      %dma_start3A_133 = tpu.memref_slice %arg8[%mul3A_17, %dma_start3A_132] : memref<512x1024xf32, #tpu.memory_space<vmem_shared>> -> memref<32x1024xf32, #tpu.memory_space<vmem_shared>>
      tpu.enqueue_dma source(%arg7 : memref<32x1024xf32, #tpu.memory_space<vmem>>) target(%dma_start3A_133 : memref<32x1024xf32, #tpu.memory_space<vmem_shared>>) target_semaphore(%run_scoped3A : memref<!tpu.dma_semaphore, #tpu.memory_space<semaphore_mem>>)
      %dma_wait3A_134 = arith.constant 0 : i32
      %dma_wait3A_135 = tpu.memref_slice %arg8[%mul3A_17, %dma_wait3A_134] : memref<512x1024xf32, #tpu.memory_space<vmem_shared>> -> memref<32x1024xf32, #tpu.memory_space<vmem_shared>>
      %dma_wait3A_136 = arith.constant 0 : i32
      %dma_wait3A_137 = tpu.memref_slice %arg8[%mul3A_17, %dma_wait3A_136] : memref<512x1024xf32, #tpu.memory_space<vmem_shared>> -> memref<32x1024xf32, #tpu.memory_space<vmem_shared>>
      tpu.wait_dma2 semaphore(%run_scoped3A : memref<!tpu.dma_semaphore, #tpu.memory_space<semaphore_mem>>) src(%arg7 : memref<32x1024xf32, #tpu.memory_space<vmem>>) dst(%dma_wait3A_137 : memref<32x1024xf32, #tpu.memory_space<vmem_shared>>)
      tpu.yield
    }) : () -> ()
    %barrier3A = arith.constant 0 : index
    tpu.barrier barrier_id(%barrier3A)
    %add3A_18 = arith.constant 320 : i32
    %add3A_19 = arith.addi %mul3A_2, %add3A_18 : i32
    %dma_start3A_20 = arith.constant 0 : i32
    %dma_start3A_21 = tpu.memref_slice %arg4[%add3A_19, %dma_start3A_20] : memref<16384x1024xf32, #tpu.memory_space<hbm>> -> memref<192x1024xf32, #tpu.memory_space<hbm>>
    %dma_start3A_22 = arith.constant 0 : i32
    %dma_start3A_23 = arith.constant 0 : i32
    %dma_start3A_24 = tpu.memref_slice %arg8[%dma_start3A_22, %dma_start3A_23] : memref<512x1024xf32, #tpu.memory_space<vmem_shared>> -> memref<192x1024xf32, #tpu.memory_space<vmem_shared>>
    tpu.enqueue_dma source(%dma_start3A_24 : memref<192x1024xf32, #tpu.memory_space<vmem_shared>>) target(%dma_start3A_21 : memref<192x1024xf32, #tpu.memory_space<hbm>>) target_semaphore(%arg10 : memref<!tpu.dma_semaphore, #tpu.memory_space<semaphore_mem>>)
    %add3A_25 = arith.constant 0 : i32
    %add3A_26 = arith.addi %mul3A_2, %add3A_25 : i32
    %dma_start3A_27 = arith.constant 0 : i32
    %dma_start3A_28 = tpu.memref_slice %arg4[%add3A_26, %dma_start3A_27] : memref<16384x1024xf32, #tpu.memory_space<hbm>> -> memref<32x1024xf32, #tpu.memory_space<hbm>>
    %dma_start3A_29 = arith.constant 0 : i32
    %dma_start3A_30 = tpu.memref_slice %arg4[%add3A_26, %dma_start3A_29] : memref<16384x1024xf32, #tpu.memory_space<hbm>> -> memref<32x1024xf32, #tpu.memory_space<hbm>>
    tpu.enqueue_dma source(%arg7 : memref<32x1024xf32, #tpu.memory_space<vmem>>) target(%dma_start3A_30 : memref<32x1024xf32, #tpu.memory_space<hbm>>) target_semaphore(%arg11 : memref<!tpu.dma_semaphore, #tpu.memory_space<semaphore_mem>>)
    %add3A_31 = arith.constant 32 : i32
    %add3A_32 = arith.addi %mul3A_2, %add3A_31 : i32
    %dma_start3A_33 = arith.constant 0 : i32
    %dma_start3A_34 = tpu.memref_slice %arg4[%add3A_32, %dma_start3A_33] : memref<16384x1024xf32, #tpu.memory_space<hbm>> -> memref<32x1024xf32, #tpu.memory_space<hbm>>
    %dma_start3A_35 = arith.constant 0 : i32
    %dma_start3A_36 = tpu.memref_slice %arg4[%add3A_32, %dma_start3A_35] : memref<16384x1024xf32, #tpu.memory_space<hbm>> -> memref<32x1024xf32, #tpu.memory_space<hbm>>
    tpu.enqueue_dma source(%arg7 : memref<32x1024xf32, #tpu.memory_space<vmem>>) target(%dma_start3A_36 : memref<32x1024xf32, #tpu.memory_space<hbm>>) target_semaphore(%arg11 : memref<!tpu.dma_semaphore, #tpu.memory_space<semaphore_mem>>)
    %add3A_37 = arith.constant 64 : i32
    %add3A_38 = arith.addi %mul3A_2, %add3A_37 : i32
    %dma_start3A_39 = arith.constant 0 : i32
    %dma_start3A_40 = tpu.memref_slice %arg4[%add3A_38, %dma_start3A_39] : memref<16384x1024xf32, #tpu.memory_space<hbm>> -> memref<32x1024xf32, #tpu.memory_space<hbm>>
    %dma_start3A_41 = arith.constant 0 : i32
    %dma_start3A_42 = tpu.memref_slice %arg4[%add3A_38, %dma_start3A_41] : memref<16384x1024xf32, #tpu.memory_space<hbm>> -> memref<32x1024xf32, #tpu.memory_space<hbm>>
    tpu.enqueue_dma source(%arg7 : memref<32x1024xf32, #tpu.memory_space<vmem>>) target(%dma_start3A_42 : memref<32x1024xf32, #tpu.memory_space<hbm>>) target_semaphore(%arg11 : memref<!tpu.dma_semaphore, #tpu.memory_space<semaphore_mem>>)
    %add3A_43 = arith.constant 96 : i32
    %add3A_44 = arith.addi %mul3A_2, %add3A_43 : i32
    %dma_start3A_45 = arith.constant 0 : i32
    %dma_start3A_46 = tpu.memref_slice %arg4[%add3A_44, %dma_start3A_45] : memref<16384x1024xf32, #tpu.memory_space<hbm>> -> memref<32x1024xf32, #tpu.memory_space<hbm>>
    %dma_start3A_47 = arith.constant 0 : i32
    %dma_start3A_48 = tpu.memref_slice %arg4[%add3A_44, %dma_start3A_47] : memref<16384x1024xf32, #tpu.memory_space<hbm>> -> memref<32x1024xf32, #tpu.memory_space<hbm>>
    tpu.enqueue_dma source(%arg7 : memref<32x1024xf32, #tpu.memory_space<vmem>>) target(%dma_start3A_48 : memref<32x1024xf32, #tpu.memory_space<hbm>>) target_semaphore(%arg11 : memref<!tpu.dma_semaphore, #tpu.memory_space<semaphore_mem>>)
    %add3A_49 = arith.constant 128 : i32
    %add3A_50 = arith.addi %mul3A_2, %add3A_49 : i32
    %dma_start3A_51 = arith.constant 0 : i32
    %dma_start3A_52 = tpu.memref_slice %arg4[%add3A_50, %dma_start3A_51] : memref<16384x1024xf32, #tpu.memory_space<hbm>> -> memref<32x1024xf32, #tpu.memory_space<hbm>>
    %dma_start3A_53 = arith.constant 0 : i32
    %dma_start3A_54 = tpu.memref_slice %arg4[%add3A_50, %dma_start3A_53] : memref<16384x1024xf32, #tpu.memory_space<hbm>> -> memref<32x1024xf32, #tpu.memory_space<hbm>>
    tpu.enqueue_dma source(%arg7 : memref<32x1024xf32, #tpu.memory_space<vmem>>) target(%dma_start3A_54 : memref<32x1024xf32, #tpu.memory_space<hbm>>) target_semaphore(%arg11 : memref<!tpu.dma_semaphore, #tpu.memory_space<semaphore_mem>>)
    %add3A_55 = arith.constant 160 : i32
    %add3A_56 = arith.addi %mul3A_2, %add3A_55 : i32
    %dma_start3A_57 = arith.constant 0 : i32
    %dma_start3A_58 = tpu.memref_slice %arg4[%add3A_56, %dma_start3A_57] : memref<16384x1024xf32, #tpu.memory_space<hbm>> -> memref<32x1024xf32, #tpu.memory_space<hbm>>
    %dma_start3A_59 = arith.constant 0 : i32
    %dma_start3A_60 = tpu.memref_slice %arg4[%add3A_56, %dma_start3A_59] : memref<16384x1024xf32, #tpu.memory_space<hbm>> -> memref<32x1024xf32, #tpu.memory_space<hbm>>
    tpu.enqueue_dma source(%arg7 : memref<32x1024xf32, #tpu.memory_space<vmem>>) target(%dma_start3A_60 : memref<32x1024xf32, #tpu.memory_space<hbm>>) target_semaphore(%arg11 : memref<!tpu.dma_semaphore, #tpu.memory_space<semaphore_mem>>)
    %add3A_61 = arith.constant 192 : i32
    %add3A_62 = arith.addi %mul3A_2, %add3A_61 : i32
    %dma_start3A_63 = arith.constant 0 : i32
    %dma_start3A_64 = tpu.memref_slice %arg4[%add3A_62, %dma_start3A_63] : memref<16384x1024xf32, #tpu.memory_space<hbm>> -> memref<32x1024xf32, #tpu.memory_space<hbm>>
    %dma_start3A_65 = arith.constant 0 : i32
    %dma_start3A_66 = tpu.memref_slice %arg4[%add3A_62, %dma_start3A_65] : memref<16384x1024xf32, #tpu.memory_space<hbm>> -> memref<32x1024xf32, #tpu.memory_space<hbm>>
    tpu.enqueue_dma source(%arg7 : memref<32x1024xf32, #tpu.memory_space<vmem>>) target(%dma_start3A_66 : memref<32x1024xf32, #tpu.memory_space<hbm>>) target_semaphore(%arg11 : memref<!tpu.dma_semaphore, #tpu.memory_space<semaphore_mem>>)
    %add3A_67 = arith.constant 224 : i32
    %add3A_68 = arith.addi %mul3A_2, %add3A_67 : i32
    %dma_start3A_69 = arith.constant 0 : i32
    %dma_start3A_70 = tpu.memref_slice %arg4[%add3A_68, %dma_start3A_69] : memref<16384x1024xf32, #tpu.memory_space<hbm>> -> memref<32x1024xf32, #tpu.memory_space<hbm>>
    %dma_start3A_71 = arith.constant 0 : i32
    %dma_start3A_72 = tpu.memref_slice %arg4[%add3A_68, %dma_start3A_71] : memref<16384x1024xf32, #tpu.memory_space<hbm>> -> memref<32x1024xf32, #tpu.memory_space<hbm>>
    tpu.enqueue_dma source(%arg7 : memref<32x1024xf32, #tpu.memory_space<vmem>>) target(%dma_start3A_72 : memref<32x1024xf32, #tpu.memory_space<hbm>>) target_semaphore(%arg11 : memref<!tpu.dma_semaphore, #tpu.memory_space<semaphore_mem>>)
    %add3A_73 = arith.constant 256 : i32
    %add3A_74 = arith.addi %mul3A_2, %add3A_73 : i32
    %dma_start3A_75 = arith.constant 0 : i32
    %dma_start3A_76 = tpu.memref_slice %arg4[%add3A_74, %dma_start3A_75] : memref<16384x1024xf32, #tpu.memory_space<hbm>> -> memref<32x1024xf32, #tpu.memory_space<hbm>>
    %dma_start3A_77 = arith.constant 0 : i32
    %dma_start3A_78 = tpu.memref_slice %arg4[%add3A_74, %dma_start3A_77] : memref<16384x1024xf32, #tpu.memory_space<hbm>> -> memref<32x1024xf32, #tpu.memory_space<hbm>>
    tpu.enqueue_dma source(%arg7 : memref<32x1024xf32, #tpu.memory_space<vmem>>) target(%dma_start3A_78 : memref<32x1024xf32, #tpu.memory_space<hbm>>) target_semaphore(%arg11 : memref<!tpu.dma_semaphore, #tpu.memory_space<semaphore_mem>>)
    %add3A_79 = arith.constant 288 : i32
    %add3A_80 = arith.addi %mul3A_2, %add3A_79 : i32
    %dma_start3A_81 = arith.constant 0 : i32
    %dma_start3A_82 = tpu.memref_slice %arg4[%add3A_80, %dma_start3A_81] : memref<16384x1024xf32, #tpu.memory_space<hbm>> -> memref<32x1024xf32, #tpu.memory_space<hbm>>
    %dma_start3A_83 = arith.constant 0 : i32
    %dma_start3A_84 = tpu.memref_slice %arg4[%add3A_80, %dma_start3A_83] : memref<16384x1024xf32, #tpu.memory_space<hbm>> -> memref<32x1024xf32, #tpu.memory_space<hbm>>
    tpu.enqueue_dma source(%arg7 : memref<32x1024xf32, #tpu.memory_space<vmem>>) target(%dma_start3A_84 : memref<32x1024xf32, #tpu.memory_space<hbm>>) target_semaphore(%arg11 : memref<!tpu.dma_semaphore, #tpu.memory_space<semaphore_mem>>)
    %dma_wait3A_85 = arith.constant 0 : i32
    %dma_wait3A_86 = tpu.memref_slice %arg4[%add3A_26, %dma_wait3A_85] : memref<16384x1024xf32, #tpu.memory_space<hbm>> -> memref<32x1024xf32, #tpu.memory_space<hbm>>
    %dma_wait3A_87 = arith.constant 0 : i32
    %dma_wait3A_88 = tpu.memref_slice %arg4[%add3A_26, %dma_wait3A_87] : memref<16384x1024xf32, #tpu.memory_space<hbm>> -> memref<32x1024xf32, #tpu.memory_space<hbm>>
    tpu.wait_dma2 semaphore(%arg11 : memref<!tpu.dma_semaphore, #tpu.memory_space<semaphore_mem>>) src(%arg7 : memref<32x1024xf32, #tpu.memory_space<vmem>>) dst(%dma_wait3A_88 : memref<32x1024xf32, #tpu.memory_space<hbm>>)
    %dma_wait3A_89 = arith.constant 0 : i32
    %dma_wait3A_90 = tpu.memref_slice %arg4[%add3A_32, %dma_wait3A_89] : memref<16384x1024xf32, #tpu.memory_space<hbm>> -> memref<32x1024xf32, #tpu.memory_space<hbm>>
    %dma_wait3A_91 = arith.constant 0 : i32
    %dma_wait3A_92 = tpu.memref_slice %arg4[%add3A_32, %dma_wait3A_91] : memref<16384x1024xf32, #tpu.memory_space<hbm>> -> memref<32x1024xf32, #tpu.memory_space<hbm>>
    tpu.wait_dma2 semaphore(%arg11 : memref<!tpu.dma_semaphore, #tpu.memory_space<semaphore_mem>>) src(%arg7 : memref<32x1024xf32, #tpu.memory_space<vmem>>) dst(%dma_wait3A_92 : memref<32x1024xf32, #tpu.memory_space<hbm>>)
    %dma_wait3A_93 = arith.constant 0 : i32
    %dma_wait3A_94 = tpu.memref_slice %arg4[%add3A_38, %dma_wait3A_93] : memref<16384x1024xf32, #tpu.memory_space<hbm>> -> memref<32x1024xf32, #tpu.memory_space<hbm>>
    %dma_wait3A_95 = arith.constant 0 : i32
    %dma_wait3A_96 = tpu.memref_slice %arg4[%add3A_38, %dma_wait3A_95] : memref<16384x1024xf32, #tpu.memory_space<hbm>> -> memref<32x1024xf32, #tpu.memory_space<hbm>>
    tpu.wait_dma2 semaphore(%arg11 : memref<!tpu.dma_semaphore, #tpu.memory_space<semaphore_mem>>) src(%arg7 : memref<32x1024xf32, #tpu.memory_space<vmem>>) dst(%dma_wait3A_96 : memref<32x1024xf32, #tpu.memory_space<hbm>>)
    %dma_wait3A_97 = arith.constant 0 : i32
    %dma_wait3A_98 = tpu.memref_slice %arg4[%add3A_44, %dma_wait3A_97] : memref<16384x1024xf32, #tpu.memory_space<hbm>> -> memref<32x1024xf32, #tpu.memory_space<hbm>>
    %dma_wait3A_99 = arith.constant 0 : i32
    %dma_wait3A_100 = tpu.memref_slice %arg4[%add3A_44, %dma_wait3A_99] : memref<16384x1024xf32, #tpu.memory_space<hbm>> -> memref<32x1024xf32, #tpu.memory_space<hbm>>
    tpu.wait_dma2 semaphore(%arg11 : memref<!tpu.dma_semaphore, #tpu.memory_space<semaphore_mem>>) src(%arg7 : memref<32x1024xf32, #tpu.memory_space<vmem>>) dst(%dma_wait3A_100 : memref<32x1024xf32, #tpu.memory_space<hbm>>)
    %dma_wait3A_101 = arith.constant 0 : i32
    %dma_wait3A_102 = tpu.memref_slice %arg4[%add3A_50, %dma_wait3A_101] : memref<16384x1024xf32, #tpu.memory_space<hbm>> -> memref<32x1024xf32, #tpu.memory_space<hbm>>
    %dma_wait3A_103 = arith.constant 0 : i32
    %dma_wait3A_104 = tpu.memref_slice %arg4[%add3A_50, %dma_wait3A_103] : memref<16384x1024xf32, #tpu.memory_space<hbm>> -> memref<32x1024xf32, #tpu.memory_space<hbm>>
    tpu.wait_dma2 semaphore(%arg11 : memref<!tpu.dma_semaphore, #tpu.memory_space<semaphore_mem>>) src(%arg7 : memref<32x1024xf32, #tpu.memory_space<vmem>>) dst(%dma_wait3A_104 : memref<32x1024xf32, #tpu.memory_space<hbm>>)
    %dma_wait3A_105 = arith.constant 0 : i32
    %dma_wait3A_106 = tpu.memref_slice %arg4[%add3A_56, %dma_wait3A_105] : memref<16384x1024xf32, #tpu.memory_space<hbm>> -> memref<32x1024xf32, #tpu.memory_space<hbm>>
    %dma_wait3A_107 = arith.constant 0 : i32
    %dma_wait3A_108 = tpu.memref_slice %arg4[%add3A_56, %dma_wait3A_107] : memref<16384x1024xf32, #tpu.memory_space<hbm>> -> memref<32x1024xf32, #tpu.memory_space<hbm>>
    tpu.wait_dma2 semaphore(%arg11 : memref<!tpu.dma_semaphore, #tpu.memory_space<semaphore_mem>>) src(%arg7 : memref<32x1024xf32, #tpu.memory_space<vmem>>) dst(%dma_wait3A_108 : memref<32x1024xf32, #tpu.memory_space<hbm>>)
    %dma_wait3A_109 = arith.constant 0 : i32
    %dma_wait3A_110 = tpu.memref_slice %arg4[%add3A_62, %dma_wait3A_109] : memref<16384x1024xf32, #tpu.memory_space<hbm>> -> memref<32x1024xf32, #tpu.memory_space<hbm>>
    %dma_wait3A_111 = arith.constant 0 : i32
    %dma_wait3A_112 = tpu.memref_slice %arg4[%add3A_62, %dma_wait3A_111] : memref<16384x1024xf32, #tpu.memory_space<hbm>> -> memref<32x1024xf32, #tpu.memory_space<hbm>>
    tpu.wait_dma2 semaphore(%arg11 : memref<!tpu.dma_semaphore, #tpu.memory_space<semaphore_mem>>) src(%arg7 : memref<32x1024xf32, #tpu.memory_space<vmem>>) dst(%dma_wait3A_112 : memref<32x1024xf32, #tpu.memory_space<hbm>>)
    %dma_wait3A_113 = arith.constant 0 : i32
    %dma_wait3A_114 = tpu.memref_slice %arg4[%add3A_68, %dma_wait3A_113] : memref<16384x1024xf32, #tpu.memory_space<hbm>> -> memref<32x1024xf32, #tpu.memory_space<hbm>>
    %dma_wait3A_115 = arith.constant 0 : i32
    %dma_wait3A_116 = tpu.memref_slice %arg4[%add3A_68, %dma_wait3A_115] : memref<16384x1024xf32, #tpu.memory_space<hbm>> -> memref<32x1024xf32, #tpu.memory_space<hbm>>
    tpu.wait_dma2 semaphore(%arg11 : memref<!tpu.dma_semaphore, #tpu.memory_space<semaphore_mem>>) src(%arg7 : memref<32x1024xf32, #tpu.memory_space<vmem>>) dst(%dma_wait3A_116 : memref<32x1024xf32, #tpu.memory_space<hbm>>)
    %dma_wait3A_117 = arith.constant 0 : i32
    %dma_wait3A_118 = tpu.memref_slice %arg4[%add3A_74, %dma_wait3A_117] : memref<16384x1024xf32, #tpu.memory_space<hbm>> -> memref<32x1024xf32, #tpu.memory_space<hbm>>
    %dma_wait3A_119 = arith.constant 0 : i32
    %dma_wait3A_120 = tpu.memref_slice %arg4[%add3A_74, %dma_wait3A_119] : memref<16384x1024xf32, #tpu.memory_space<hbm>> -> memref<32x1024xf32, #tpu.memory_space<hbm>>
    tpu.wait_dma2 semaphore(%arg11 : memref<!tpu.dma_semaphore, #tpu.memory_space<semaphore_mem>>) src(%arg7 : memref<32x1024xf32, #tpu.memory_space<vmem>>) dst(%dma_wait3A_120 : memref<32x1024xf32, #tpu.memory_space<hbm>>)
    %dma_wait3A_121 = arith.constant 0 : i32
    %dma_wait3A_122 = tpu.memref_slice %arg4[%add3A_80, %dma_wait3A_121] : memref<16384x1024xf32, #tpu.memory_space<hbm>> -> memref<32x1024xf32, #tpu.memory_space<hbm>>
    %dma_wait3A_123 = arith.constant 0 : i32
    %dma_wait3A_124 = tpu.memref_slice %arg4[%add3A_80, %dma_wait3A_123] : memref<16384x1024xf32, #tpu.memory_space<hbm>> -> memref<32x1024xf32, #tpu.memory_space<hbm>>
    tpu.wait_dma2 semaphore(%arg11 : memref<!tpu.dma_semaphore, #tpu.memory_space<semaphore_mem>>) src(%arg7 : memref<32x1024xf32, #tpu.memory_space<vmem>>) dst(%dma_wait3A_124 : memref<32x1024xf32, #tpu.memory_space<hbm>>)
    %dma_wait3A_125 = arith.constant 0 : i32
    %dma_wait3A_126 = tpu.memref_slice %arg4[%add3A_19, %dma_wait3A_125] : memref<16384x1024xf32, #tpu.memory_space<hbm>> -> memref<192x1024xf32, #tpu.memory_space<hbm>>
    %dma_wait3A_127 = arith.constant 0 : i32
    %dma_wait3A_128 = arith.constant 0 : i32
    %dma_wait3A_129 = tpu.memref_slice %arg8[%dma_wait3A_127, %dma_wait3A_128] : memref<512x1024xf32, #tpu.memory_space<vmem_shared>> -> memref<192x1024xf32, #tpu.memory_space<vmem_shared>>
    tpu.wait_dma2 semaphore(%arg10 : memref<!tpu.dma_semaphore, #tpu.memory_space<semaphore_mem>>) src(%dma_wait3A_129 : memref<192x1024xf32, #tpu.memory_space<vmem_shared>>) dst(%dma_wait3A_126 : memref<192x1024xf32, #tpu.memory_space<hbm>>)
    return
  }
}

</mosaic_0001>

<sc_bundles>
// kernel: kernel.3.cloned.1.call-start
scs
__scs_entry_jumppad:
0x0: {  	(pc) =	sbr.rel $0x88, $3  }
0x1: {  	(tag) =	ssettag $0x0;
	lr =	simm.s32 $0x1  }
0x2: {  	[smem:$0x3F9F] =	sst lr;
	_ =	strace $0xD0000000  }
0x3: {  	_ = 	snop  }
0x4: {  	_ = 	snop  }
0x5: {  	_ = 	snop  }
0x6: {  	_ = 	snop  }
0x7: {  	_ = 	snop  }
__scs_overlays_trampoline_lowered:
0x8: {  	[smem:$0x3FAE] =	sst s0  }
0x9: {  	[smem:$0x3FAF] =	sst s1  }
0xa: {  	[smem:$0x3FB0] =	sst s2  }
0xb: {  	[smem:$0x3FB1] =	sst s3  }
0xc: {  	[smem:$0x3FB2] =	sst s4  }
0xd: {  	[smem:$0x3FB3] =	sst s5  }
0xe: {  	[smem:$0x3FB4] =	sst s6  }
0xf: {  	[smem:$0x3FB5] =	sst s7  }
0x10: {  	[smem:$0x3FB6] =	sst s8  }
0x11: {  	[smem:$0x3FB7] =	sst s9;
	s0 =	simm.s32 @!p0 $0x0  }
0x12: {  	s1 =	sld [smem:$0x3F9D];
	s0 =	simm.s32 @p0 $0x1  }
0x13: {  	[smem:$0x3FB8] =	sst s0;
	s0 =	simm.s32 @!p1 $0x0  }
0x14: {  	s2 =	sld [smem:$0x3F9C];
	s0 =	simm.s32 @p1 $0x1  }
0x15: {  	[smem:$0x3FB9] =	sst s0;
	s0 =	simm.s32 @!p2 $0x0  }
0x16: {  	s3 =	sld [smem:$0x3FDB];
	s0 =	simm.s32 @p2 $0x1  }
0x17: {  	s4 =	simm.s32 $0x1BF5;
	[smem:$0x3FBB] =	sst s0  }
0x18: {  	s0 =	sld [smem:$0x3F9E];
	_ =	swait.ge [sflag:s4], $0x0  }
0x19: {  	s7 =	sld [smem:$0x3F9F]  }
0x1a: {  	s8 =	sadd.s32 $0xFFFFE003, lr  }
0x1b: {  	s9 =	sadd.s32 $0xFFFFFEF7, lr;
	s5 =	simm.s32 $0xFFFFFFFF;
	p2 =	slt.u32 s8, $0xFFFFF086  }
0x1c: {  	p1 =	slt.u32 s9, $0xF7A;
	s5 =	simm.s32 @!p2 $0x0  }
0x1d: {  	s5 =	simm.s32 @p1 $0x1;
	p0 =	seq.s32 s7, s2  }
0x1e: {  	s7 =	smul.u32 @!p0 $0xF7A, s2;
	p2 =	seq.s32 @!p0 s5, $0x0  }
0x1f: {  	s9 =	smul.u32 $0xF7A, s1;
	s8 =	simm.s32 @!p0 $0x1BF5;
	p2 =	por !p2, p0  }
0x20: {  	[sflag:s8] =	ssyncset.s32 @!p0 $0xFFFFF086;
	s6 =	sadd.s32 @!p0 s3, s7;
	s7 =	simm.s32 @!p0 $0x108  }
0x21: {  	s3 =	sadd.s32 s3, s9;
	s6 =	sadd.s32 @!p0 $0x88, s6;
	s7 =	simm.s32 @p2 $0x1082  }
0x22: {  	[simem:s7], [sflag:s8] =	dma.local @!p0 [hbm:s6], $0xF7A  }
0x23: {  	s9 =	sor.u32 $0xD0000000, s2;
	s6 =	simm.s32 $0x108;
	_ =	swait.ge @!p0 [sflag:s8], $0x0  }
0x24: {  	s3 =	sadd.s32 $0x88, s3;
	s6 =	simm.s32 @!p1 $0x1082;
	[sflag:s4] =	ssyncset.s32 $0xFFFFF086  }
0x25: {  	[simem:s6], [sflag:s4] =	dma.local [hbm:s3], $0xF7A  }
0x26: {  	[smem:$0x3F9F] =	sst s1;
	(tag) =	ssettag s2;
	_ =	strace s9  }
0x27: {  	s1 =	sld [smem:$0x3FAF]  }
0x28: {  	s2 =	sld [smem:$0x3FB0]  }
0x29: {  	s4 =	sld [smem:$0x3FB2]  }
0x2a: {  	p0 =	seq.s32 s5, $0x0;
	s5 =	sld [smem:$0x3FB3]  }
0x2b: {  	s6 =	sld [smem:$0x3FB4]  }
0x2c: {  	s7 =	sld [smem:$0x3FB5]  }
0x2d: {  	s3 =	simm.s32 $0x108;
	s8 =	sld [smem:$0x3FB6]  }
0x2e: {  	s3 =	simm.s32 @!p0 $0x1082;
	s9 =	sld [smem:$0x3FB7]  }
0x2f: {  	lr =	sadd.s32 s0, s3;
	s0 =	sld [smem:$0x3FAE]  }
0x30: {  	s3 =	sld [smem:$0x3FB1]  }
0x31: {  	[smem:$0x3FBA] =	sst s10  }
0x32: {  	s10 =	sld [smem:$0x3FB8];
	_ =	sdelay $0x3  }
0x33: {  	p0 =	seq.s32 s10, $0x1;
	s10 =	sld [smem:$0x3FBA];
	_ =	sdelay $0x3  }
0x34: {  	[smem:$0x3FBA] =	sst s10  }
0x35: {  	s10 =	sld [smem:$0x3FB9];
	_ =	sdelay $0x3  }
0x36: {  	p1 =	seq.s32 s10, $0x1;
	s10 =	sld [smem:$0x3FBA];
	_ =	sdelay $0x3  }
0x37: {  	[smem:$0x3FBA] =	sst s10  }
0x38: {  	s10 =	sld [smem:$0x3FBB]  }
0x39: {  	_ = 	snop;
	(pc) =	sbr.ind lr, $3  }
0x3a: {  	_ = 	snop  }
0x3b: {  	_ = 	snop  }
0x3c: {  	p2 =	seq.s32 s10, $0x1;
	s10 =	sld [smem:$0x3FBA]  }
0x3d: {  	_ =	shalt  }
0x3e: {  	_ =	shalt  }
0x3f: {  	_ =	shalt  }
0x40: {  	_ =	shalt  }
0x41: {  	_ =	shalt  }
0x42: {  	_ =	shalt  }
0x43: {  	_ =	shalt  }
0x44: {  	_ =	shalt  }
0x45: {  	_ =	shalt  }
0x46: {  	_ =	shalt  }
0x47: {  	_ =	shalt  }
0x48: {  	_ =	shalt  }
0x49: {  	_ =	shalt  }
0x4a: {  	_ =	shalt  }
0x4b: {  	_ =	shalt  }
0x4c: {  	_ =	shalt  }
0x4d: {  	_ =	shalt  }
0x4e: {  	_ =	shalt  }
0x4f: {  	_ =	shalt  }
0x50: {  	_ =	shalt  }
0x51: {  	_ =	shalt  }
0x52: {  	_ =	shalt  }
0x53: {  	_ =	shalt  }
0x54: {  	_ =	shalt  }
0x55: {  	_ =	shalt  }
0x56: {  	_ =	shalt  }
0x57: {  	_ =	shalt  }
0x58: {  	_ =	shalt  }
0x59: {  	_ =	shalt  }
0x5a: {  	_ =	shalt  }
0x5b: {  	_ =	shalt  }
0x5c: {  	_ =	shalt  }
0x5d: {  	_ =	shalt  }
0x5e: {  	_ =	shalt  }
0x5f: {  	_ =	shalt  }
0x60: {  	_ =	shalt  }
0x61: {  	_ =	shalt  }
0x62: {  	_ =	shalt  }
0x63: {  	_ =	shalt  }
0x64: {  	_ =	shalt  }
0x65: {  	_ =	shalt  }
0x66: {  	_ =	shalt  }
0x67: {  	_ =	shalt  }
0x68: {  	_ =	shalt  }
0x69: {  	_ =	shalt  }
0x6a: {  	_ =	shalt  }
0x6b: {  	_ =	shalt  }
0x6c: {  	_ =	shalt  }
0x6d: {  	_ =	shalt  }
0x6e: {  	_ =	shalt  }
0x6f: {  	_ =	shalt  }
0x70: {  	_ =	shalt  }
0x71: {  	_ =	shalt  }
0x72: {  	_ =	shalt  }
0x73: {  	_ =	shalt  }
0x74: {  	_ =	shalt  }
0x75: {  	_ =	shalt  }
0x76: {  	_ =	shalt  }
0x77: {  	_ =	shalt  }
0x78: {  	_ =	shalt  }
0x79: {  	_ =	shalt  }
0x7a: {  	_ =	shalt  }
0x7b: {  	_ =	shalt  }
0x7c: {  	_ =	shalt  }
0x7d: {  	_ =	shalt  }
0x7e: {  	_ =	shalt  }
0x7f: {  	_ =	shalt  }
0x80: {  	_ =	shalt  }
0x81: {  	_ =	shalt  }
0x82: {  	_ =	shalt  }
0x83: {  	_ =	shalt  }
0x84: {  	_ =	shalt  }
0x85: {  	_ =	shalt  }
0x86: {  	_ =	shalt  }
0x87: {  	_ =	shalt  }
.Lfunc_end0:
.L_simem_size_0:
called_computation_lowered:
.L_overlay_start_0:
0x88: {  	s2 =	sld [smem:$0x3FD9]  }
0x89: {  	s3 =	sld [smem:$0x3FFE];
	_ =	sdelay $0x1  }
0x8a: {  	s1 =	srdreg.scid  }
0x8b: {  	s0 =	sand.u32 $0x1, s1  }
0x8c: {  	s18 =	sshll.u32 s0, $0xA;
	s2 =	sadd.s32 s3, s2  }
0x8d: {  	s2 =	sadd.s32 s2, s18  }
0x8e: {  	[smem:$0x3FC6] =	sst s2  }
0x8f: {  	_ = 	snop  }
0x90: {  	s2 =	sld [smem:$0x3FC9]  }
0x91: {  	s19 =	sld [smem:$0x3FC8]  }
0x92: {  	s4 =	sld [smem:$0x3FD0];
	(tm) =	ssettm $0x1  }
0x93: {  	s5 =	sld [smem:$0x3FFB];
	_ =	sdelay $0x3  }
0x94: {  	_ =	strace s5  }
0x95: {  	s5 =	sld [smem:$0x3FFC];
	_ =	sdelay $0x3  }
0x96: {  	_ =	strace s5  }
0x97: {  	s5 =	sld [smem:$0x3FFD];
	_ =	sdelay $0x3  }
0x98: {  	_ =	strace s5  }
0x99: {  	_ =	strace $0x8FFFFFFF  }
0x9a: {  	s20 =	sld [smem:$0x3FDB];
	_ =	sdelay $0x1  }
0x9b: {  	s6 =	simm.s32 $_scs_section_size  }
0x9c: {  	s7 =	simm.s32 $_size__tile_overlayer_lowered;
	s8 =	simm.s32 $_tile_overlayer_lowered  }
0x9d: {  	s23 =	simm.s32 $0x1BFF;
	s22 =	sshll.u32 s8, $0x1;
	s5 =	sadd.s32 s6, s20  }
0x9e: {  	s9 =	simm.s32 $0x0;
	s21 =	sshll.u32 s7, $0x1;
	s7 =	sadd.s32 s22, s5  }
0x9f: {  	[timem:s9], [sflag:s23] =	dma.local [hbm:s7], s21  }
0xa0: {  	_ =	swait.ge [sflag:s23], s21  }
0xa1: {  	s6 =	ssub.s32 $0x0, s21;
	[sflag:s23] =	ssyncset.done $0x0  }
0xa2: {  	[sflag:s23] =	ssyncadd.s32 s6;
	_ =	sdelay $0x1  }
0xa3: {  	s24 =	simm.s32 $0x1B8B  }
0xa4: {  	_ =	swait.ge [sflag:s24], $0x1  }
0xa5: {  	[sflag:s24] =	ssyncset.done $0x0  }
0xa6: {  	s25 =	simm.s32 $0x1B8E;
	[sflag:s24] =	ssyncadd.s32 $0xFFFFFFFF  }
0xa7: {  	s26 =	simm.s32 $execute0_lowered;
	[smem:$0x3FD2] =	sst s25  }
0xa8: {  	s6 =	sshll.u32 s26, $0x1;
	_ =	strace $0x80000046;
	[dreg:$0x1] =	wrdreg $0xFFFFFFFF  }
0xa9: {  	s28 =	simm.s32 $_size_execute0_lowered;
	s5 =	sadd.s32 s5, s6;
	[dreg:$0x0] =	wrdreg $0x0  }
0xaa: {  	s6 =	sshll.u32 s28, $0x1;
	[dreg:$0x2] =	wrdreg s5  }
0xab: {  	[dreg:$0x3] =	wrdreg s6  }
0xac: {  	[dreg:$0x4] =	wrdreg $0xC0  }
0xad: {  	_ =	task [dreg:s9], $0x5FFFF  }
0xae: {  	[dreg:$0x1] =	wrdreg $0xFFFFFFFF  }
0xaf: {  	[dreg:$0x0] =	wrdreg $0x60  }
0xb0: {  	[dreg:$0x2] =	wrdreg s2  }
0xb1: {  	[dreg:$0x3] =	wrdreg s19  }
0xb2: {  	[dreg:$0x4] =	wrdreg s4  }
0xb3: {  	[dreg:$0x5] =	wrdreg $0x81000  }
0xb4: {  	[dreg:$0x6] =	wrdreg $0x9  }
0xb5: {  	_ =	task.clear_ibuf [dreg:s9], $0x7FFFF;
	_ =	strace $0x90000046  }
0xb6: {  	s29 =	simm.s32 $0x9;
	_ =	strace $0x80000048  }
0xb7: {  	_ =	swait.ge [sflag:s29], $0x1  }
0xb8: {  	[sflag:s29] =	ssyncadd.s32 $0xFFFFFFFF  }
0xb9: {  	_ =	strace $0x90000048  }
0xba: {  	_ =	sfence  }
0xbb: {  	s30 =	sld [smem:$0x0];
	_ =	sdelay $0x2  }
0xbc: {  	s31 =	sshll.u32 s1, $0xD;
	s1 =	sshrl.u32 s1, $0x2  }
0xbd: {  	s3 =	sand.u32 $0x4000, s31;
	s1 =	sadd.s32 s1, s30  }
0xbe: {  	s0 =	sor.u32 s3, s0;
	s1 =	sshll.u32 s1, $0x11  }
0xbf: {  	s0 =	sor.u32 s1, s0  }
0xc0: {  	s0 =	sadd.s32 $0x8F2B, s0  }
0xc1: {  	[sflag:s0] =	ssyncadd.remote.s32 $0x1  }
0xc2: {  	_ =	sfence.sel $0xFFFF  }
0xc3: {  	[dreg:$0x0] =	wrdreg $0xFFFFFFFF;
	(pc) =	sbr.abs _section_cstart, $3  }
0xc4: {  	[dreg:$0x1] =	wrdreg $0xFFFFFFFF  }
0xc5: {  	_ =	task.clear_ibuf [dreg:s9], $0x2FFFF;
	_ =	strace $0x9FFFFFFF  }
0xc6: {  	(tm) =	ssettm $0x7FFFFFFF  }
0xc7: {  	_ =	shalt  }
tec
execute0_lowered:
.L_overlay_start_1:
0x0: {  	(tag) =	ssettag $0x1  }
0x1: {  	s0 =	rddreg [dreg:$0x0]  }
0x2: {  	s1 =	rddreg [dreg:$0x1]  }
0x3: {  	s5 =	rddreg [dreg:$0x2]  }
0x4: {  	s3 =	rddreg [dreg:$0x3];
	s4 =	srdreg.scid  }
0x5: {  	s2 =	stileid.u32;
	s11 =	simm.s32 $0x900;
	s12 =	simm.s32 $0x1100  }
0x6: {  	s13 =	simm.s32 $0x2100;
	s14 =	simm.s32 $0x2900;
	s15 =	simm.s32 $0x3100  }
0x7: {  	s16 =	simm.s32 $0x3900;
	s17 =	simm.s32 $0x4100;
	[dreg:$0x5] =	wrdreg s0  }
0x8: {  	s18 =	simm.s32 $0x4900;
	s19 =	simm.s32 $0x5100;
	s0 =	rddreg [dreg:$0x4]  }
0x9: {  	s6 =	sand.u32 $0x1, s4;
	s4 =	simm.s32 $0x0;
	s8 =	sshll.u32 s2, $0x10  }
0xa: {  	s20 =	sshll.u32 s2, $0xF;
	s7 =	sshll.u32 s6, $0x14;
	[smem:$0x7FF] =	sst s4  }
0xb: {  	s7 =	sor.u32 s8, s7;
	_ =	strace $0x80000047;
	[dreg:$0x11] =	wrdreg s11  }
0xc: {  	s8 =	sadd.s32 s20, s3;
	[dreg:$0x12] =	wrdreg s12;
	s5 =	sadd.s32 s5, s7  }
0xd: {  	s28 =	simm.s32 $0x2;
	[dreg:$0x6] =	wrdreg s8;
	s7 =	sadd.s32 $0xA000, s5  }
0xe: {  	s6 =	ssub.s32 $0x2, s6;
	s21 =	sadd.s32 $0x1000, s5;
	[dreg:$0x7] =	wrdreg s7  }
0xf: {  	s25 =	sshrl.u32 s6, $0x1;
	s22 =	sadd.s32 $0x2000, s5;
	[dreg:$0x8] =	wrdreg s21  }
0x10: {  	s11 =	simm.s32 $0x100;
	s23 =	sadd.s32 $0x3000, s5;
	[dreg:$0x9] =	wrdreg s22  }
0x11: {  	s12 =	simm.s32 $0x1900;
	s24 =	sadd.s32 $0x4000, s5;
	[dreg:$0xa] =	wrdreg s23  }
0x12: {  	s20 =	simm.s32 $0x5900;
	s26 =	sadd.s32 $0x5000, s5;
	[dreg:$0xb] =	wrdreg s24  }
0x13: {  	s9 =	ssub.s32 s6, s25;
	s29 =	sadd.s32 $0x6000, s5;
	[dreg:$0xc] =	wrdreg s26  }
0x14: {  	s6 =	sadd.s32 $0x100, s1;
	s30 =	sadd.s32 $0x7000, s5;
	[dreg:$0xd] =	wrdreg s29  }
0x15: {  	s8 =	sadd.s32 $0x300, s1;
	s10 =	sadd.s32 $0x8000, s5;
	[dreg:$0xe] =	wrdreg s30  }
0x16: {  	s25 =	simm.s32 $0x1;
	s31 =	sadd.s32 $0x9000, s5;
	[dreg:$0xf] =	wrdreg s10  }
0x17: {  	v2 =	vlaneseq.u32;
	s9 =	smax.u32 s9, $0x1;
	s7 =	sadd.s32 $0x200, s1;
	[dreg:$0x10] =	wrdreg s31  }
0x18: {  	vm0 =	vmmov $0xffff;
	v1 =	vshrl.u32 v2, $0x3;
	s10 =	simm.s32 $0x4;
	s21 =	simm.s32 $0x6100;
	s22 =	simm.s32 $0x6900  }
0x19: {  	v0 =	vand.u32 $0x7, v2;
	v2 =	vor.u32 $0x8, v2;
	v1 =	vmul.u32 $0x8, v1;
	s23 =	simm.s32 $0x7100;
	s24 =	simm.s32 $0x7900;
	s26 =	simm.s32 $0x3  }
.LBB2_1:
0x1a: {  	s29 =	rddreg [dreg:$0x5]  }
0x1b: {  	[tilespmem:s4], [sflag:$0x4] =	stream.linear.gather [hbm4b:s29+s4], $0x1, $0x38;
	[tilespmem:$0x10100] =	vst v63  }
0x1c: {  	_ =	swait.ge [sflag:s10], $0x1  }
0x1d: {  	[sflag:s10] =	ssyncset.done $0x0  }
0x1e: {  	[sflag:s10] =	ssyncadd.s32 $0xFFFFFFFF  }
0x1f: {  	v3 =	vld.msk [tilespmem:$0x0 ss:$0x0], $0xffff;
	_ =	sdelay $0x4  }
0x20: {  	v4 =	vshll.u32 v3, $0x3  }
0x21: {  	v5 =	vand.u32 $0x7, v3;
	v4 =	vand.u32 $0xFFFFFFC0, v4  }
0x22: {  	v4 =	vor.u32 v5, v4  }
0x23: {  	v5 =	vperm.xlane v4, v0;
	_ =	sdelay $0x1  }
0x24: {  	v5 =	vadd.s32 v1, v5;
	_ =	sdelay $0x2  }
0x25: {  	[tilespmem:$0x80] =	vst v3  }
0x26: {  	[tilespmem:$0x90] =	vst v3  }
0x27: {  	[tilespmem:s11], [sflag:$0x1] =	stream.indirect_vreg.gather [hbm4b:s1+s4], $0x80, v5, vm0, $0xb8;
	[tilespmem:$0x10100] =	vst v63  }
0x28: {  	s31 =	rddreg [dreg:$0x11];
	v3 =	vperm.xlane v4, v2  }
0x29: {  	[tilespmem:s31], [sflag:$0x1] =	stream.indirect_vreg.gather [hbm4b:s6+s4], $0x80, v5, vm0, $0xb8;
	[tilespmem:$0x10100] =	vst v63  }
0x2a: {  	s30 =	rddreg [dreg:$0x12];
	v3 =	vadd.s32 v1, v3  }
0x2b: {  	[tilespmem:s30], [sflag:$0x1] =	stream.indirect_vreg.gather [hbm4b:s7+s4], $0x80, v5, vm0, $0xb8;
	[tilespmem:$0x10100] =	vst v63  }
0x2c: {  	_ = 	snop  }
0x2d: {  	[tilespmem:s12], [sflag:$0x1] =	stream.indirect_vreg.gather [hbm4b:s8+s4], $0x80, v5, vm0, $0xb8;
	[tilespmem:$0x10100] =	vst v63  }
0x2e: {  	_ = 	snop  }
0x2f: {  	[tilespmem:s13], [sflag:$0x1] =	stream.indirect_vreg.gather [hbm4b:s1+s4], $0x80, v3, vm0, $0xb8;
	[tilespmem:$0x10100] =	vst v63  }
0x30: {  	_ = 	snop  }
0x31: {  	[tilespmem:s14], [sflag:$0x1] =	stream.indirect_vreg.gather [hbm4b:s6+s4], $0x80, v3, vm0, $0xb8;
	[tilespmem:$0x10100] =	vst v63  }
0x32: {  	_ = 	snop  }
0x33: {  	[tilespmem:s15], [sflag:$0x1] =	stream.indirect_vreg.gather [hbm4b:s7+s4], $0x80, v3, vm0, $0xb8;
	[tilespmem:$0x10100] =	vst v63  }
0x34: {  	_ = 	snop  }
0x35: {  	[tilespmem:s16], [sflag:$0x1] =	stream.indirect_vreg.gather [hbm4b:s8+s4], $0x80, v3, vm0, $0xb8;
	[tilespmem:$0x10100] =	vst v63  }
0x36: {  	v3 =	vld [tilespmem:$0x90];
	_ =	sdelay $0x4  }
0x37: {  	v63 =	vshll.u32 v3, $0x3  }
0x38: {  	v3 =	vand.u32 $0x7, v3;
	v4 =	vand.u32 $0xFFFFFFC0, v63  }
0x39: {  	v3 =	vor.u32 v3, v4  }
0x3a: {  	v4 =	vperm.xlane v3, v0;
	_ =	sdelay $0x1  }
0x3b: {  	v4 =	vadd.s32 v1, v4;
	_ =	sdelay $0x4  }
0x3c: {  	[tilespmem:s17], [sflag:$0x1] =	stream.indirect_vreg.gather [hbm4b:s1+s4], $0x80, v4, vm0, $0xb8;
	[tilespmem:$0x10100] =	vst v63  }
0x3d: {  	v3 =	vperm.xlane v3, v2  }
0x3e: {  	[tilespmem:s18], [sflag:$0x1] =	stream.indirect_vreg.gather [hbm4b:s6+s4], $0x80, v4, vm0, $0xb8;
	[tilespmem:$0x10100] =	vst v63  }
0x3f: {  	v3 =	vadd.s32 v1, v3  }
0x40: {  	[tilespmem:s19], [sflag:$0x1] =	stream.indirect_vreg.gather [hbm4b:s7+s4], $0x80, v4, vm0, $0xb8;
	[tilespmem:$0x10100] =	vst v63  }
0x41: {  	_ = 	snop  }
0x42: {  	[tilespmem:s20], [sflag:$0x1] =	stream.indirect_vreg.gather [hbm4b:s8+s4], $0x80, v4, vm0, $0xb8;
	[tilespmem:$0x10100] =	vst v63  }
0x43: {  	_ = 	snop  }
0x44: {  	[tilespmem:s21], [sflag:$0x1] =	stream.indirect_vreg.gather [hbm4b:s1+s4], $0x80, v3, vm0, $0xb8;
	[tilespmem:$0x10100] =	vst v63  }
0x45: {  	_ = 	snop  }
0x46: {  	[tilespmem:s22], [sflag:$0x1] =	stream.indirect_vreg.gather [hbm4b:s6+s4], $0x80, v3, vm0, $0xb8;
	[tilespmem:$0x10100] =	vst v63  }
0x47: {  	_ = 	snop  }
0x48: {  	[tilespmem:s23], [sflag:$0x1] =	stream.indirect_vreg.gather [hbm4b:s7+s4], $0x80, v3, vm0, $0xb8;
	[tilespmem:$0x10100] =	vst v63  }
0x49: {  	_ = 	snop  }
0x4a: {  	[tilespmem:s24], [sflag:$0x1] =	stream.indirect_vreg.gather [hbm4b:s8+s4], $0x80, v3, vm0, $0xb8;
	[tilespmem:$0x10100] =	vst v63  }
0x4b: {  	_ =	swait.ge [sflag:s25], $0x8000  }
0x4c: {  	[sflag:s25] =	ssyncset.done $0x0  }
0x4d: {  	s30 =	rddreg [dreg:$0x6];
	[sflag:s25] =	ssyncadd.s32 $0xFFFF8000  }
0x4e: {  	[spmem:s30] =	stream.linear.scatter [tilespmem:s11], [sflag:$0x4], $0x8000, $0x38;
	[tilespmem:$0x10100] =	vst v63  }
0x4f: {  	_ =	swait.ge [sflag:s10], $0x8000  }
0x50: {  	[sflag:s10] =	ssyncset.done $0x0  }
0x51: {  	[sflag:s10] =	ssyncadd.s32 $0xFFFF8000  }
0x52: {  	s31 =	sshll.u32 s2, $0x6;
	[bflag:$0x0] =	sbarrier.arrive $0xFFFF  }
0x53: {  	s30 =	sor.u32 $0x1C02, s31;
	s31 =	sshrl.u32 s3, $0x3;
	s29 =	rddreg [dreg:$0x7]  }
0x54: {  	[hbm:s29], [sflag:s30] =	dma.local [spmem:s31], $0x6000  }
0x55: {  	[hbm4b:s5+s4] =	stream.linear.scatter [tilespmem:s11], [sflag:$0x3], $0x8000, $0x38;
	[tilespmem:$0x10100] =	vst v63  }
0x56: {  	s29 =	rddreg [dreg:$0x8]  }
0x57: {  	[hbm4b:s29+s4] =	stream.linear.scatter [tilespmem:s11], [sflag:$0x3], $0x8000, $0x38;
	[tilespmem:$0x10100] =	vst v63  }
0x58: {  	s30 =	rddreg [dreg:$0x9]  }
0x59: {  	[hbm4b:s30+s4] =	stream.linear.scatter [tilespmem:s11], [sflag:$0x3], $0x8000, $0x38;
	[tilespmem:$0x10100] =	vst v63  }
0x5a: {  	s31 =	rddreg [dreg:$0xa]  }
0x5b: {  	[hbm4b:s31+s4] =	stream.linear.scatter [tilespmem:s11], [sflag:$0x3], $0x8000, $0x38;
	[tilespmem:$0x10100] =	vst v63  }
0x5c: {  	s30 =	rddreg [dreg:$0xb]  }
0x5d: {  	[hbm4b:s30+s4] =	stream.linear.scatter [tilespmem:s11], [sflag:$0x3], $0x8000, $0x38;
	[tilespmem:$0x10100] =	vst v63  }
0x5e: {  	s31 =	rddreg [dreg:$0xc]  }
0x5f: {  	[hbm4b:s31+s4] =	stream.linear.scatter [tilespmem:s11], [sflag:$0x3], $0x8000, $0x38;
	[tilespmem:$0x10100] =	vst v63  }
0x60: {  	s30 =	rddreg [dreg:$0xd]  }
0x61: {  	[hbm4b:s30+s4] =	stream.linear.scatter [tilespmem:s11], [sflag:$0x3], $0x8000, $0x38;
	[tilespmem:$0x10100] =	vst v63  }
0x62: {  	s31 =	rddreg [dreg:$0xe]  }
0x63: {  	[hbm4b:s31+s4] =	stream.linear.scatter [tilespmem:s11], [sflag:$0x3], $0x8000, $0x38;
	[tilespmem:$0x10100] =	vst v63  }
0x64: {  	s30 =	rddreg [dreg:$0xf]  }
0x65: {  	[hbm4b:s30+s4] =	stream.linear.scatter [tilespmem:s11], [sflag:$0x3], $0x8000, $0x38;
	[tilespmem:$0x10100] =	vst v63  }
0x66: {  	s31 =	rddreg [dreg:$0x10]  }
0x67: {  	[hbm4b:s31+s4] =	stream.linear.scatter [tilespmem:s11], [sflag:$0x3], $0x8000, $0x38;
	[tilespmem:$0x10100] =	vst v63  }
0x68: {  	_ =	swait.ge [sflag:s26], $0x8000  }
0x69: {  	[sflag:s26] =	ssyncset.done $0x0  }
0x6a: {  	[sflag:s26] =	ssyncadd.s32 $0xFFFF8000  }
0x6b: {  	_ =	swait.ge [sflag:s26], $0x8000  }
0x6c: {  	[sflag:s26] =	ssyncset.done $0x0  }
0x6d: {  	[sflag:s26] =	ssyncadd.s32 $0xFFFF8000  }
0x6e: {  	_ =	swait.ge [sflag:s26], $0x8000  }
0x6f: {  	[sflag:s26] =	ssyncset.done $0x0  }
0x70: {  	[sflag:s26] =	ssyncadd.s32 $0xFFFF8000  }
0x71: {  	_ =	swait.ge [sflag:s26], $0x8000  }
0x72: {  	[sflag:s26] =	ssyncset.done $0x0  }
0x73: {  	[sflag:s26] =	ssyncadd.s32 $0xFFFF8000  }
0x74: {  	_ =	swait.ge [sflag:s26], $0x8000  }
0x75: {  	[sflag:s26] =	ssyncset.done $0x0  }
0x76: {  	[sflag:s26] =	ssyncadd.s32 $0xFFFF8000  }
0x77: {  	_ =	swait.ge [sflag:s26], $0x8000  }
0x78: {  	[sflag:s26] =	ssyncset.done $0x0  }
0x79: {  	[sflag:s26] =	ssyncadd.s32 $0xFFFF8000  }
0x7a: {  	_ =	swait.ge [sflag:s26], $0x8000  }
0x7b: {  	[sflag:s26] =	ssyncset.done $0x0  }
0x7c: {  	[sflag:s26] =	ssyncadd.s32 $0xFFFF8000  }
0x7d: {  	_ =	swait.ge [sflag:s26], $0x8000  }
0x7e: {  	[sflag:s26] =	ssyncset.done $0x0  }
0x7f: {  	[sflag:s26] =	ssyncadd.s32 $0xFFFF8000  }
0x80: {  	_ =	swait.ge [sflag:s26], $0x8000  }
0x81: {  	[sflag:s26] =	ssyncset.done $0x0  }
0x82: {  	[sflag:s26] =	ssyncadd.s32 $0xFFFF8000  }
0x83: {  	p0 =	sne.s32 s9, $0x1;
	_ =	swait.ge [sflag:s26], $0x8000  }
.Ltmp0:
0x84: {  	[sflag:s26] =	ssyncset.done $0x0;
	(pc) =	sbr.rel @p0 .LBB2_1-.Ltmp0, $4  }
0x85: {  	[sflag:s26] =	ssyncadd.s32 $0xFFFF8000  }
0x86: {  	_ =	swait.ge [sflag:s28], $0x6000  }
0x87: {  	[sflag:s28] =	ssyncset.done $0x0  }
0x88: {  	s9 =	sadd.s32 $0xFFFFFFFF, s9;
	[sflag:s28] =	ssyncadd.s32 $0xFFFFA000  }
0x89: {  	_ =	sfence.sel $0x180000  }
0x8a: {  	[bflag:$0x0] =	sbarrier.arrive $0xFFFF  }
0x8b: {  	p0 =	sne.s32 s2, $0x0;
	_ =	strace $0x90000047  }
0x8c: {  	s0 =	sadd.s32 @!p0 $0x100000, s0;
	[bflag:$0x2] =	sbarrier.arrive $0xFFFF  }
0x8d: {  	[sflag:s0] =	ssyncadd.tile.s32 @!p0 $0x1;
	_ =	shalt  }
.Lfunc_end2:
_tile_overlayer_lowered:
.L_overlay_start_2:
0x8e: {  	(tag) =	ssettag $0x2  }
0x8f: {  	s0 =	rddreg [dreg:$0x0];
	s2 =	stileid.u32  }
0x90: {  	s1 =	rddreg [dreg:$0x1];
	p0 =	sne.s32 s2, $0x0  }
0x91: {  	s3 =	rddreg [dreg:$0x2];
	[bflag:$0x3] =	sbarrier.arrive $0xFFFF;
	s2 =	simm.s32 @!p0 $0x1C04  }
0x92: {  	[timem:s3], [sflag:s2] =	dma.local @!p0 [hbm:s0], s1  }
0x93: {  	s0 =	simm.s32 @!p0 $0x4  }
0x94: {  	_ =	swait.ge @!p0 [sflag:s0], s1  }
0x95: {  	s1 =	ssub.s32 @!p0 $0x0, s1;
	[sflag:s0] =	ssyncset.done @!p0 $0x0  }
0x96: {  	[sflag:s0] =	ssyncadd.s32 @!p0 s1  }
0x97: {  	[bflag:$0x3] =	sbarrier.arrive $0xFFFF  }
0x98: {  	_ =	shalt  }

</sc_bundles>
